<compile_context>
chip_gen: v7x
topology: tpu7x:2x2x1
jax: 0.10.2.dev20260603
libtpu: 0.0.44.dev20260713+nightly
codegen_flags: <defaults>
</compile_context>

<pallas_src>
import functools

import jax
import jax.numpy as jnp
from jax import lax
from jax.experimental import pallas as pl
from jax.experimental.pallas import tpu as pltpu
from jax.experimental.pallas import tpu_sc as plsc

SIGMA = 0.5
SCORE_THRESHOLD = 0.05

BI = 1280
BJ = 1280

_SC_CORES = 2
_SC_LANES = 16


def _iou_block(bi, btj):
    xi1, yi1 = bi[:, 0:1], bi[:, 1:2]
    xi2, yi2 = bi[:, 2:3], bi[:, 3:4]
    xj1, yj1 = btj[0:1, :], btj[1:2, :]
    xj2, yj2 = btj[2:3, :], btj[3:4, :]
    iw = jnp.clip(jnp.minimum(xi2, xj2) - jnp.maximum(xi1, xj1), 0.0)
    ih = jnp.clip(jnp.minimum(yi2, yj2) - jnp.maximum(yi1, yj1), 0.0)
    inter = iw * ih
    area_i = (xi2 - xi1) * (yi2 - yi1)
    area_j = (xj2 - xj1) * (yj2 - yj1)
    union = area_i + area_j - inter
    return inter / union


def _rank_body(scol_ref, srow_ref, u_ref, r_ref, u_scr, r_scr, *, nbl):
    j_blk = pl.program_id(0)
    i_blk = pl.program_id(1)

    @pl.when((j_blk == 0) & (i_blk == 0))
    def _init():
        u_scr[...] = jnp.zeros_like(u_scr)
        r_scr[...] = jnp.zeros_like(r_scr)

    si = scol_ref[...]
    sj = srow_ref[...]

    @pl.when(i_blk < j_blk)
    def _off():
        w = jnp.where(si >= sj, 1.0, 0.0)
        u_scr[0:1, pl.ds(j_blk * BJ, BJ)] += jnp.sum(w, axis=0, keepdims=True)
        r_scr[pl.ds(i_blk * BI, BI), 0:1] += jnp.sum(1.0 - w, axis=1,
                                                     keepdims=True)

    @pl.when(i_blk == j_blk)
    def _diag():
        gi = i_blk * BI + lax.broadcasted_iota(jnp.int32, (BI, BJ), 0)
        gj = j_blk * BJ + lax.broadcasted_iota(jnp.int32, (BI, BJ), 1)
        valid = gi < gj
        ahead = (si > sj) | ((si == sj) & valid)
        wu = jnp.where(valid & ahead, 1.0, 0.0)
        wr = jnp.where(valid & (~ahead), 1.0, 0.0)
        u_scr[0:1, pl.ds(j_blk * BJ, BJ)] += jnp.sum(wu, axis=0, keepdims=True)
        r_scr[pl.ds(i_blk * BI, BI), 0:1] += jnp.sum(wr, axis=1, keepdims=True)

    @pl.when((j_blk == nbl - 1) & (i_blk == nbl - 1))
    def _emit():
        u_ref[...] = u_scr[...]
        r_ref[...] = r_scr[...]


def _nms_body(bj_ref, bti_ref, out_ref, ccur_ref, c2row_ref):
    j_blk = pl.program_id(0)
    i_blk = pl.program_id(1)

    @pl.when(i_blk == 0)
    def _init():
        out_ref[...] = jnp.zeros_like(out_ref)
        ccur_ref[...] = jnp.zeros_like(ccur_ref)

    @pl.when(i_blk < j_blk)
    def _off_diag():
        iou = _iou_block(bj_ref[...], bti_ref[...])
        ccur_ref[...] = jnp.maximum(
            ccur_ref[...], jnp.max(iou, axis=1, keepdims=True))
        c2r = c2row_ref[0:1, pl.ds(i_blk * BJ, BJ)]
        t = iou * iou - c2r
        out_ref[...] = jnp.maximum(
            out_ref[...], jnp.max(t, axis=1, keepdims=True))

    @pl.when(i_blk == j_blk)
    def _diag():
        iou = _iou_block(bj_ref[...], bti_ref[...])
        gj = j_blk * BJ + lax.broadcasted_iota(jnp.int32, (BJ, BJ), 0)
        gi = i_blk * BJ + lax.broadcasted_iota(jnp.int32, (BJ, BJ), 1)
        mask = gi < gj
        cfin = jnp.maximum(
            ccur_ref[...],
            jnp.max(jnp.where(mask, iou, 0.0), axis=1, keepdims=True))
        c2r = (cfin * cfin).reshape(1, BJ)
        c2row_ref[0:1, pl.ds(j_blk * BJ, BJ)] = c2r
        t = jnp.where(mask, iou * iou - c2r, -1e30)
        m = jnp.maximum(out_ref[...], jnp.max(t, axis=1, keepdims=True))
        ns = bj_ref[:, 4:5] * jnp.exp(-m / SIGMA)
        out_ref[...] = jnp.where(ns >= SCORE_THRESHOLD, ns, 0.0)


def _sc_permute(u_f, r_f, data5):
    npad = data5.shape[1]
    mesh = plsc.VectorSubcoreMesh(core_axis_name="c", subcore_axis_name="s")

    @functools.partial(
        pl.kernel,
        mesh=mesh,
        compiler_params=pltpu.CompilerParams(needs_layout_passes=False),
        out_type=jax.ShapeDtypeStruct((5, npad), jnp.float32),
        scratch_types=[
            pltpu.VMEM((npad,), jnp.float32),
            pltpu.VMEM((npad,), jnp.float32),
            pltpu.VMEM((npad,), jnp.float32),
            pltpu.VMEM((npad,), jnp.float32),
        ],
    )
    def scatter_kernel(u_hbm, r_hbm, data_hbm, out_hbm,
                       u_v, r_v, src_v, dst_v):
        wid = lax.axis_index("s") * _SC_CORES + lax.axis_index("c")

        @pl.when(wid < 5)
        def _rows():
            pltpu.sync_copy(u_hbm, u_v)
            pltpu.sync_copy(r_hbm, r_v)
            pltpu.sync_copy(data_hbm.at[wid], src_v)

            def body(k, carry):
                sl = pl.ds(k * _SC_LANES, _SC_LANES)
                idx = (u_v[sl] + r_v[sl]).astype(jnp.int32)
                plsc.store_scatter(dst_v, [idx], src_v[sl])
                return carry

            lax.fori_loop(0, npad // _SC_LANES, body, 0)
            pltpu.sync_copy(dst_v, out_hbm.at[wid])

    return scatter_kernel(u_f, r_f, data5)


def kernel(boxes, scores):
    n = scores.shape[0]
    npad = -(-n // BJ) * BJ
    nb = npad // BJ

    boxes_p = jnp.pad(boxes.astype(jnp.float32), ((0, npad - n), (0, 0)))
    scores_p = jnp.pad(scores.astype(jnp.float32), (0, npad - n),
                       constant_values=-1.0)
    s_col = scores_p.reshape(npad, 1)
    s_row = scores_p.reshape(1, npad)

    u_f, r_f = pl.pallas_call(
        functools.partial(_rank_body, nbl=nb),
        grid=(nb, nb),
        in_specs=[
            pl.BlockSpec((BI, 1), lambda j, i: (i, 0)),
            pl.BlockSpec((1, BJ), lambda j, i: (0, j)),
        ],
        out_specs=[
            pl.BlockSpec((1, npad), lambda j, i: (0, 0)),
            pl.BlockSpec((npad, 1), lambda j, i: (0, 0)),
        ],
        out_shape=[
            jax.ShapeDtypeStruct((1, npad), jnp.float32),
            jax.ShapeDtypeStruct((npad, 1), jnp.float32),
        ],
        scratch_shapes=[
            pltpu.VMEM((1, npad), jnp.float32),
            pltpu.VMEM((npad, 1), jnp.float32),
        ],
    )(s_col, s_row)

    data5 = jnp.concatenate([boxes_p.T, s_row], axis=0)
    sorted5 = _sc_permute(u_f.reshape(npad), r_f.reshape(npad), data5)
    sorted5_t = sorted5.T

    out = pl.pallas_call(
        _nms_body,
        grid=(nb, nb),
        in_specs=[
            pl.BlockSpec((BJ, 5), lambda j, i: (j, 0)),
            pl.BlockSpec((5, BJ), lambda j, i: (0, i)),
        ],
        out_specs=pl.BlockSpec((BJ, 1), lambda j, i: (j, 0)),
        out_shape=jax.ShapeDtypeStruct((n, 1), jnp.float32),
        scratch_shapes=[
            pltpu.VMEM((BJ, 1), jnp.float32),
            pltpu.VMEM((1, npad), jnp.float32),
        ],
    )(sorted5_t, sorted5)

    return out.reshape(n)

# --- scband reference (transcript-rebuilt; emitter-appended) ---
"""Pipeline reference for scband-token-nmsw-17480516895338 (READ-ONLY COPY).

The authoritative reference and input builder live on the scoring server;
editing this copy changes nothing except your own understanding.
"""

import jax, jax.numpy as jnp
import numpy as np

SIGMA = 0.5
SCORE_THRESHOLD = 0.05


def setup_inputs(seed: int = 0) -> dict:
    key = jax.random.key(seed)
    k1, k2 = jax.random.split(key)
    raw = jax.random.uniform(k1, (5000, 4), dtype=jnp.float32)
    xy = raw[:, :2] * 512.0
    wh = raw[:, 2:] * 64.0 + 1.0
    boxes = jnp.concatenate([xy, xy + wh], axis=-1)
    scores = jax.random.uniform(k2, (5000,), dtype=jnp.float32)
    return {"boxes": boxes, "scores": scores}


def _pairwise_iou(b):
    # b: [N, 4] in (x1, y1, x2, y2)
    x1 = jnp.maximum(b[:, None, 0], b[None, :, 0])
    y1 = jnp.maximum(b[:, None, 1], b[None, :, 1])
    x2 = jnp.minimum(b[:, None, 2], b[None, :, 2])
    y2 = jnp.minimum(b[:, None, 3], b[None, :, 3])
    inter = jnp.clip(x2 - x1, 0.0) * jnp.clip(y2 - y1, 0.0)
    area = (b[:, 2] - b[:, 0]) * (b[:, 3] - b[:, 1])
    union = area[:, None] + area[None, :] - inter
    return inter / jnp.maximum(union, 1e-9)


def reference(boxes, scores):
    # TokenNMSW: weighted (matrix-style) NMS with gaussian decay kernel.
    # Sort tokens/boxes by score descending (indices are integer constants).
    order = jnp.argsort(-scores)
    b = jnp.take(boxes, order, axis=0)
    s = jnp.take(scores, order, axis=0)
    n = s.shape[0]
    iou = _pairwise_iou(b)
    # Upper-triangular mask: row i (higher score) suppresses column j (i < j).
    upper = jnp.triu(jnp.ones((n, n), dtype=iou.dtype), k=1)
    iou_u = iou * upper
    # Compensation: max IoU each suppressor i has with any higher-scored box.
    compensate = jnp.max(iou_u, axis=0)  # [n]
    decay_matrix = jnp.exp(-(iou_u ** 2 - compensate[:, None] ** 2) / SIGMA)
    decay = jnp.min(decay_matrix, axis=0)  # [n], per suppressed box j
    new_scores = s * decay
    new_scores = jnp.where(new_scores >= SCORE_THRESHOLD, new_scores, 0.0)
    return new_scores

if __name__ == "__main__":
    import jax
    _d = setup_inputs()
    print(jax.jit(kernel)(*tuple(_d.values())))

</pallas_src>

<mosaic_0001>
#map = affine_map<(d0, d1) -> (0)>
#map1 = affine_map<(d0, d1) -> (0, 0)>
module attributes {stable_mosaic.version = 14 : i64} {
  func.func @scatter_kernel(%arg0: i32, %arg1: i32, %arg2: memref<5120xf32, #tpu.memory_space<hbm>>, %arg3: memref<5120xf32, #tpu.memory_space<hbm>>, %arg4: memref<5x5120xf32, #tpu.memory_space<hbm>>, %arg5: memref<5x5120xf32, #tpu.memory_space<hbm>>, %arg6: memref<5120xf32, #tpu.memory_space<vmem>>, %arg7: memref<5120xf32, #tpu.memory_space<vmem>>, %arg8: memref<5120xf32, #tpu.memory_space<vmem>>, %arg9: memref<5120xf32, #tpu.memory_space<vmem>>) attributes {dimension_semantics = [#tpu.dimension_semantics<core_parallel>, #tpu.dimension_semantics<subcore_parallel>], iteration_bounds = array<i64: 2, 16>, scalar_prefetch = 0 : i64, scratch_operands = 4 : i64, tpu.core_type = #tpu.core_type<sc_vector_subcore>, window_params = [{transform_indices = #map}, {transform_indices = #map}, {transform_indices = #map1}, {transform_indices = #map1}]} {
    %mul3A = arith.constant 2 : i32
    %mul3A_0 = arith.muli %arg1, %mul3A : i32
    %add3A = arith.addi %mul3A_0, %arg0 : i32
    %lt3A = arith.constant 5 : i32
    %lt3A_1 = arith.cmpi slt, %add3A, %lt3A : i32
    %convert_element_type3A = arith.extui %lt3A_1 : i1 to i32
    %cond3A = arith.constant 0 : i32
    %cond3A_2 = arith.cmpi ne, %convert_element_type3A, %cond3A : i32
    scf.if %cond3A_2 {
      "tpu.region"() ({
        %run_scoped3A = tpu.sem_alloc : memref<!tpu.dma_semaphore, #tpu.memory_space<semaphore_mem>>
        tpu.enqueue_dma source(%arg2 : memref<5120xf32, #tpu.memory_space<hbm>>) target(%arg6 : memref<5120xf32, #tpu.memory_space<vmem>>) target_semaphore(%run_scoped3A : memref<!tpu.dma_semaphore, #tpu.memory_space<semaphore_mem>>)
        tpu.wait_dma2 semaphore(%run_scoped3A : memref<!tpu.dma_semaphore, #tpu.memory_space<semaphore_mem>>) src(%arg2 : memref<5120xf32, #tpu.memory_space<hbm>>) dst(%arg6 : memref<5120xf32, #tpu.memory_space<vmem>>)
        tpu.yield
      }) : () -> ()
      "tpu.region"() ({
        %run_scoped3A = tpu.sem_alloc : memref<!tpu.dma_semaphore, #tpu.memory_space<semaphore_mem>>
        tpu.enqueue_dma source(%arg3 : memref<5120xf32, #tpu.memory_space<hbm>>) target(%arg7 : memref<5120xf32, #tpu.memory_space<vmem>>) target_semaphore(%run_scoped3A : memref<!tpu.dma_semaphore, #tpu.memory_space<semaphore_mem>>)
        tpu.wait_dma2 semaphore(%run_scoped3A : memref<!tpu.dma_semaphore, #tpu.memory_space<semaphore_mem>>) src(%arg3 : memref<5120xf32, #tpu.memory_space<hbm>>) dst(%arg7 : memref<5120xf32, #tpu.memory_space<vmem>>)
        tpu.yield
      }) : () -> ()
      "tpu.region"() ({
        %run_scoped3A = tpu.sem_alloc : memref<!tpu.dma_semaphore, #tpu.memory_space<semaphore_mem>>
        %dma_start3A = arith.constant 0 : i32
        %dma_start3A_8 = tpu.memref_slice %arg4[%add3A, %dma_start3A] : memref<5x5120xf32, #tpu.memory_space<hbm>> -> memref<1x5120xf32, #tpu.memory_space<hbm>>
        %dma_start3A_9 = tpu.memref_squeeze %dma_start3A_8 : memref<1x5120xf32, #tpu.memory_space<hbm>> -> memref<5120xf32, #tpu.memory_space<hbm>>
        %dma_start3A_10 = arith.constant 0 : i32
        %dma_start3A_11 = tpu.memref_slice %arg4[%add3A, %dma_start3A_10] : memref<5x5120xf32, #tpu.memory_space<hbm>> -> memref<1x5120xf32, #tpu.memory_space<hbm>>
        %dma_start3A_12 = tpu.memref_squeeze %dma_start3A_11 : memref<1x5120xf32, #tpu.memory_space<hbm>> -> memref<5120xf32, #tpu.memory_space<hbm>>
        tpu.enqueue_dma source(%dma_start3A_12 : memref<5120xf32, #tpu.memory_space<hbm>>) target(%arg8 : memref<5120xf32, #tpu.memory_space<vmem>>) target_semaphore(%run_scoped3A : memref<!tpu.dma_semaphore, #tpu.memory_space<semaphore_mem>>)
        %dma_wait3A = arith.constant 0 : i32
        %dma_wait3A_13 = tpu.memref_slice %arg4[%add3A, %dma_wait3A] : memref<5x5120xf32, #tpu.memory_space<hbm>> -> memref<1x5120xf32, #tpu.memory_space<hbm>>
        %dma_wait3A_14 = tpu.memref_squeeze %dma_wait3A_13 : memref<1x5120xf32, #tpu.memory_space<hbm>> -> memref<5120xf32, #tpu.memory_space<hbm>>
        %dma_wait3A_15 = arith.constant 0 : i32
        %dma_wait3A_16 = tpu.memref_slice %arg4[%add3A, %dma_wait3A_15] : memref<5x5120xf32, #tpu.memory_space<hbm>> -> memref<1x5120xf32, #tpu.memory_space<hbm>>
        %dma_wait3A_17 = tpu.memref_squeeze %dma_wait3A_16 : memref<1x5120xf32, #tpu.memory_space<hbm>> -> memref<5120xf32, #tpu.memory_space<hbm>>
        tpu.wait_dma2 semaphore(%run_scoped3A : memref<!tpu.dma_semaphore, #tpu.memory_space<semaphore_mem>>) src(%dma_wait3A_17 : memref<5120xf32, #tpu.memory_space<hbm>>) dst(%arg8 : memref<5120xf32, #tpu.memory_space<vmem>>)
        tpu.yield
      }) : () -> ()
      %scan3A = arith.constant 0 : i32
      %scan3A_3 = arith.constant 0 : i32
      %scan3A_4 = arith.constant 320 : i32
      %scan3A_5 = arith.addi %scan3A_3, %scan3A_4 : i32
      %scan3A_6 = arith.constant 1 : i32
      scf.for %scan3A_8 = %scan3A_3 to %scan3A_5 step %scan3A_6  : i32 {
        %mul3A_9 = arith.constant 16 : i32
        %mul3A_10 = arith.muli %scan3A_8, %mul3A_9 : i32
        %get3A = arith.index_cast %mul3A_10 : i32 to index
        %get3A_11 = tpu.vector_load %arg6[%get3A] {strides = array<i32>} : memref<5120xf32, #tpu.memory_space<vmem>>, vector<16xf32>,
        %get3A_12 = arith.index_cast %mul3A_10 : i32 to index
        %get3A_13 = tpu.vector_load %arg7[%get3A_12] {strides = array<i32>} : memref<5120xf32, #tpu.memory_space<vmem>>, vector<16xf32>,
        %add3A_14 = arith.addf %get3A_11, %get3A_13 : vector<16xf32>
        %convert_element_type3A_15 = arith.fptosi %add3A_14 : vector<16xf32> to vector<16xi32>
        %get3A_16 = arith.index_cast %mul3A_10 : i32 to index
        %get3A_17 = tpu.vector_load %arg8[%get3A_16] {strides = array<i32>} : memref<5120xf32, #tpu.memory_space<vmem>>, vector<16xf32>,
        tpu.vector_store_idx %arg9[%convert_element_type3A_15], %get3A_17 : memref<5120xf32, #tpu.memory_space<vmem>>[vector<16xi32>], vector<16xf32>,
      }
      %scan3A_7 = arith.constant 320 : i32
      "tpu.region"() ({
        %run_scoped3A = tpu.sem_alloc : memref<!tpu.dma_semaphore, #tpu.memory_space<semaphore_mem>>
        %dma_start3A = arith.constant 0 : i32
        %dma_start3A_8 = tpu.memref_slice %arg5[%add3A, %dma_start3A] : memref<5x5120xf32, #tpu.memory_space<hbm>> -> memref<1x5120xf32, #tpu.memory_space<hbm>>
        %dma_start3A_9 = tpu.memref_squeeze %dma_start3A_8 : memref<1x5120xf32, #tpu.memory_space<hbm>> -> memref<5120xf32, #tpu.memory_space<hbm>>
        %dma_start3A_10 = arith.constant 0 : i32
        %dma_start3A_11 = tpu.memref_slice %arg5[%add3A, %dma_start3A_10] : memref<5x5120xf32, #tpu.memory_space<hbm>> -> memref<1x5120xf32, #tpu.memory_space<hbm>>
        %dma_start3A_12 = tpu.memref_squeeze %dma_start3A_11 : memref<1x5120xf32, #tpu.memory_space<hbm>> -> memref<5120xf32, #tpu.memory_space<hbm>>
        tpu.enqueue_dma source(%arg9 : memref<5120xf32, #tpu.memory_space<vmem>>) target(%dma_start3A_12 : memref<5120xf32, #tpu.memory_space<hbm>>) target_semaphore(%run_scoped3A : memref<!tpu.dma_semaphore, #tpu.memory_space<semaphore_mem>>)
        %dma_wait3A = arith.constant 0 : i32
        %dma_wait3A_13 = tpu.memref_slice %arg5[%add3A, %dma_wait3A] : memref<5x5120xf32, #tpu.memory_space<hbm>> -> memref<1x5120xf32, #tpu.memory_space<hbm>>
        %dma_wait3A_14 = tpu.memref_squeeze %dma_wait3A_13 : memref<1x5120xf32, #tpu.memory_space<hbm>> -> memref<5120xf32, #tpu.memory_space<hbm>>
        %dma_wait3A_15 = arith.constant 0 : i32
        %dma_wait3A_16 = tpu.memref_slice %arg5[%add3A, %dma_wait3A_15] : memref<5x5120xf32, #tpu.memory_space<hbm>> -> memref<1x5120xf32, #tpu.memory_space<hbm>>
        %dma_wait3A_17 = tpu.memref_squeeze %dma_wait3A_16 : memref<1x5120xf32, #tpu.memory_space<hbm>> -> memref<5120xf32, #tpu.memory_space<hbm>>
        tpu.wait_dma2 semaphore(%run_scoped3A : memref<!tpu.dma_semaphore, #tpu.memory_space<semaphore_mem>>) src(%arg9 : memref<5120xf32, #tpu.memory_space<vmem>>) dst(%dma_wait3A_17 : memref<5120xf32, #tpu.memory_space<hbm>>)
        tpu.yield
      }) : () -> ()
    } else {
    }
    return
  }
}

module attributes {stable_mosaic.version = 14 : i64} {
  func.func @_rank_body(%arg0: i32, %arg1: i32, %arg2: memref<1280x1xf32, #tpu.memory_space<vmem>>, %arg3: memref<1x1280xf32, #tpu.memory_space<vmem>>, %arg4: memref<1x5120xf32, #tpu.memory_space<vmem>>, %arg5: memref<5120x1xf32, #tpu.memory_space<vmem>>, %arg6: memref<1x5120xf32, #tpu.memory_space<vmem>>, %arg7: memref<5120x1xf32, #tpu.memory_space<vmem>>) attributes {dimension_semantics = [#tpu.dimension_semantics<arbitrary>, #tpu.dimension_semantics<arbitrary>], iteration_bounds = array<i64: 4, 4>, scalar_prefetch = 0 : i64, scratch_operands = 2 : i64, tpu.core_type = #tpu.core_type<tc>, window_params = [{transform_indices = @transform_0, window_bounds = array<i64: 1280, 1>}, {transform_indices = @transform_1, window_bounds = array<i64: 1, 1280>}, {pipeline_mode = #tpu.pipeline_mode<synchronous>, transform_indices = @transform_2, window_bounds = array<i64: 1, 5120>}, {pipeline_mode = #tpu.pipeline_mode<synchronous>, transform_indices = @transform_3, window_bounds = array<i64: 5120, 1>}]} {
    %eq3A = arith.constant 0 : i32
    %eq3A_0 = arith.cmpi eq, %arg0, %eq3A : i32
    %eq3A_1 = arith.constant 0 : i32
    %eq3A_2 = arith.cmpi eq, %arg1, %eq3A_1 : i32
    %and3A = arith.andi %eq3A_0, %eq3A_2 : i1
    %convert_element_type3A = arith.extui %and3A : i1 to i32
    %cond3A = arith.constant 0 : i32
    %cond3A_3 = arith.cmpi ne, %convert_element_type3A, %cond3A : i32
    scf.if %cond3A_3 {
      %broadcast_in_dim3A = arith.constant 0.000000e+00 : f32
      %broadcast_in_dim3A_24 = vector.broadcast %broadcast_in_dim3A : f32 to vector<1x5120xf32>
      %swap3A = arith.constant 0 : index
      %swap3A_25 = arith.constant 0 : index
      %swap3A_26 = vector.load %arg6[%swap3A, %swap3A_25] : memref<1x5120xf32, #tpu.memory_space<vmem>>, vector<1x5120xf32>
      tpu.vector_store %arg6[%swap3A, %swap3A_25], %broadcast_in_dim3A_24 {strides = array<i32>} : memref<1x5120xf32, #tpu.memory_space<vmem>>, vector<1x5120xf32>,
      %broadcast_in_dim3A_27 = arith.constant 0.000000e+00 : f32
      %broadcast_in_dim3A_28 = vector.broadcast %broadcast_in_dim3A_27 : f32 to vector<5120x1xf32>
      %swap3A_29 = arith.constant 0 : index
      %swap3A_30 = arith.constant 0 : index
      %swap3A_31 = vector.load %arg7[%swap3A_29, %swap3A_30] : memref<5120x1xf32, #tpu.memory_space<vmem>>, vector<5120x1xf32>
      tpu.vector_store %arg7[%swap3A_29, %swap3A_30], %broadcast_in_dim3A_28 {strides = array<i32>} : memref<5120x1xf32, #tpu.memory_space<vmem>>, vector<5120x1xf32>,
    } else {
    }
    %get3A = arith.constant 0 : index
    %get3A_4 = arith.constant 0 : index
    %get3A_5 = vector.load %arg2[%get3A, %get3A_4] : memref<1280x1xf32, #tpu.memory_space<vmem>>, vector<1280x1xf32>
    %get3A_6 = arith.constant 0 : index
    %get3A_7 = arith.constant 0 : index
    %get3A_8 = vector.load %arg3[%get3A_6, %get3A_7] : memref<1x1280xf32, #tpu.memory_space<vmem>>, vector<1x1280xf32>
    %lt3A = arith.cmpi slt, %arg1, %arg0 : i32
    %convert_element_type3A_9 = arith.extui %lt3A : i1 to i32
    %cond3A_10 = arith.constant 0 : i32
    %cond3A_11 = arith.cmpi ne, %convert_element_type3A_9, %cond3A_10 : i32
    scf.if %cond3A_11 {
      %ge3A = vector.broadcast %get3A_5 : vector<1280x1xf32> to vector<1280x1280xf32>
      %ge3A_24 = vector.broadcast %get3A_8 : vector<1x1280xf32> to vector<1280x1280xf32>
      %ge3A_25 = arith.cmpf oge, %ge3A, %ge3A_24 : vector<1280x1280xf32>
      %jit3A = arith.constant 1.000000e+00 : f32
      %jit3A_26 = arith.constant 0.000000e+00 : f32
      %broadcast_in_dim3A = vector.broadcast %jit3A : f32 to vector<1280x1280xf32>
      %broadcast_in_dim3A_27 = vector.broadcast %jit3A_26 : f32 to vector<1280x1280xf32>
      %select_n3A = arith.select %ge3A_25, %broadcast_in_dim3A, %broadcast_in_dim3A_27 : vector<1280x1280xi1>, vector<1280x1280xf32>
      %mul3A = arith.constant 1280 : i32
      %mul3A_28 = arith.muli %arg0, %mul3A : i32
      %get3A_29 = arith.constant 0 : index
      %get3A_30 = arith.index_cast %mul3A_28 : i32 to index
      %get3A_31 = vector.load %arg6[%get3A_29, %get3A_30] : memref<1x5120xf32, #tpu.memory_space<vmem>>, vector<1x1280xf32>
      %reduce_sum3A = arith.constant dense<0.000000e+00> : vector<1280xf32>
      %reduce_sum3A_32 = vector.multi_reduction <add>, %select_n3A, %reduce_sum3A [0] : vector<1280x1280xf32> to vector<1280xf32>
      %broadcast_in_dim3A_33 = vector.shape_cast %reduce_sum3A_32 : vector<1280xf32> to vector<1x1280xf32>
      %add3A = arith.addf %get3A_31, %broadcast_in_dim3A_33 : vector<1x1280xf32>
      %swap3A = arith.constant 0 : index
      %swap3A_34 = arith.index_cast %mul3A_28 : i32 to index
      %swap3A_35 = vector.load %arg6[%swap3A, %swap3A_34] : memref<1x5120xf32, #tpu.memory_space<vmem>>, vector<1x1280xf32>
      tpu.vector_store %arg6[%swap3A, %swap3A_34], %add3A {strides = array<i32>} : memref<1x5120xf32, #tpu.memory_space<vmem>>, vector<1x1280xf32>,
      %mul3A_36 = arith.constant 1280 : i32
      %mul3A_37 = arith.muli %arg1, %mul3A_36 : i32
      %get3A_38 = arith.index_cast %mul3A_37 : i32 to index
      %get3A_39 = arith.constant 0 : index
      %get3A_40 = vector.load %arg7[%get3A_38, %get3A_39] : memref<5120x1xf32, #tpu.memory_space<vmem>>, vector<1280x1xf32>
      %sub3A = arith.constant 1.000000e+00 : f32
      %sub3A_41 = vector.broadcast %sub3A : f32 to vector<1280x1280xf32>
      %sub3A_42 = arith.subf %sub3A_41, %select_n3A : vector<1280x1280xf32>
      %reduce_sum3A_43 = arith.constant dense<0.000000e+00> : vector<1280xf32>
      %reduce_sum3A_44 = vector.multi_reduction <add>, %sub3A_42, %reduce_sum3A_43 [1] : vector<1280x1280xf32> to vector<1280xf32>
      %broadcast_in_dim3A_45 = vector.shape_cast %reduce_sum3A_44 : vector<1280xf32> to vector<1280x1xf32>
      %add3A_46 = arith.addf %get3A_40, %broadcast_in_dim3A_45 : vector<1280x1xf32>
      %swap3A_47 = arith.index_cast %mul3A_37 : i32 to index
      %swap3A_48 = arith.constant 0 : index
      %swap3A_49 = vector.load %arg7[%swap3A_47, %swap3A_48] : memref<5120x1xf32, #tpu.memory_space<vmem>>, vector<1280x1xf32>
      tpu.vector_store %arg7[%swap3A_47, %swap3A_48], %add3A_46 {strides = array<i32>} : memref<5120x1xf32, #tpu.memory_space<vmem>>, vector<1280x1xf32>,
    } else {
    }
    %eq3A_12 = arith.cmpi eq, %arg1, %arg0 : i32
    %convert_element_type3A_13 = arith.extui %eq3A_12 : i1 to i32
    %cond3A_14 = arith.constant 0 : i32
    %cond3A_15 = arith.cmpi ne, %convert_element_type3A_13, %cond3A_14 : i32
    scf.if %cond3A_15 {
      %mul3A = arith.constant 1280 : i32
      %mul3A_24 = arith.muli %arg1, %mul3A : i32
      %iota3A = tpu.iota {dimensions = array<i32: 0>} : vector<1280x1280xi32>
      %add3A = vector.broadcast %mul3A_24 : i32 to vector<1280x1280xi32>
      %add3A_25 = arith.addi %add3A, %iota3A : vector<1280x1280xi32>
      %mul3A_26 = arith.constant 1280 : i32
      %mul3A_27 = arith.muli %arg0, %mul3A_26 : i32
      %iota3A_28 = tpu.iota {dimensions = array<i32: 1>} : vector<1280x1280xi32>
      %add3A_29 = vector.broadcast %mul3A_27 : i32 to vector<1280x1280xi32>
      %add3A_30 = arith.addi %add3A_29, %iota3A_28 : vector<1280x1280xi32>
      %lt3A_31 = arith.cmpi slt, %add3A_25, %add3A_30 : vector<1280x1280xi32>
      %gt3A = vector.broadcast %get3A_5 : vector<1280x1xf32> to vector<1280x1280xf32>
      %gt3A_32 = vector.broadcast %get3A_8 : vector<1x1280xf32> to vector<1280x1280xf32>
      %gt3A_33 = arith.cmpf ogt, %gt3A, %gt3A_32 : vector<1280x1280xf32>
      %eq3A_34 = vector.broadcast %get3A_5 : vector<1280x1xf32> to vector<1280x1280xf32>
      %eq3A_35 = vector.broadcast %get3A_8 : vector<1x1280xf32> to vector<1280x1280xf32>
      %eq3A_36 = arith.cmpf oeq, %eq3A_34, %eq3A_35 : vector<1280x1280xf32>
      %and3A_37 = arith.andi %eq3A_36, %lt3A_31 : vector<1280x1280xi1>
      %or3A = arith.ori %gt3A_33, %and3A_37 : vector<1280x1280xi1>
      %and3A_38 = arith.andi %lt3A_31, %or3A : vector<1280x1280xi1>
      %jit3A = arith.constant 1.000000e+00 : f32
      %jit3A_39 = arith.constant 0.000000e+00 : f32
      %broadcast_in_dim3A = vector.broadcast %jit3A : f32 to vector<1280x1280xf32>
      %broadcast_in_dim3A_40 = vector.broadcast %jit3A_39 : f32 to vector<1280x1280xf32>
      %select_n3A = arith.select %and3A_38, %broadcast_in_dim3A, %broadcast_in_dim3A_40 : vector<1280x1280xi1>, vector<1280x1280xf32>
      %not3A = arith.constant dense<true> : vector<1280x1280xi1>
      %not3A_41 = arith.xori %or3A, %not3A : vector<1280x1280xi1>
      %and3A_42 = arith.andi %lt3A_31, %not3A_41 : vector<1280x1280xi1>
      %jit3A_43 = arith.constant 1.000000e+00 : f32
      %jit3A_44 = arith.constant 0.000000e+00 : f32
      %broadcast_in_dim3A_45 = vector.broadcast %jit3A_43 : f32 to vector<1280x1280xf32>
      %broadcast_in_dim3A_46 = vector.broadcast %jit3A_44 : f32 to vector<1280x1280xf32>
      %select_n3A_47 = arith.select %and3A_42, %broadcast_in_dim3A_45, %broadcast_in_dim3A_46 : vector<1280x1280xi1>, vector<1280x1280xf32>
      %mul3A_48 = arith.constant 1280 : i32
      %mul3A_49 = arith.muli %arg0, %mul3A_48 : i32
      %get3A_50 = arith.constant 0 : index
      %get3A_51 = arith.index_cast %mul3A_49 : i32 to index
      %get3A_52 = vector.load %arg6[%get3A_50, %get3A_51] : memref<1x5120xf32, #tpu.memory_space<vmem>>, vector<1x1280xf32>
      %reduce_sum3A = arith.constant dense<0.000000e+00> : vector<1280xf32>
      %reduce_sum3A_53 = vector.multi_reduction <add>, %select_n3A, %reduce_sum3A [0] : vector<1280x1280xf32> to vector<1280xf32>
      %broadcast_in_dim3A_54 = vector.shape_cast %reduce_sum3A_53 : vector<1280xf32> to vector<1x1280xf32>
      %add3A_55 = arith.addf %get3A_52, %broadcast_in_dim3A_54 : vector<1x1280xf32>
      %swap3A = arith.constant 0 : index
      %swap3A_56 = arith.index_cast %mul3A_49 : i32 to index
      %swap3A_57 = vector.load %arg6[%swap3A, %swap3A_56] : memref<1x5120xf32, #tpu.memory_space<vmem>>, vector<1x1280xf32>
      tpu.vector_store %arg6[%swap3A, %swap3A_56], %add3A_55 {strides = array<i32>} : memref<1x5120xf32, #tpu.memory_space<vmem>>, vector<1x1280xf32>,
      %mul3A_58 = arith.constant 1280 : i32
      %mul3A_59 = arith.muli %arg1, %mul3A_58 : i32
      %get3A_60 = arith.index_cast %mul3A_59 : i32 to index
      %get3A_61 = arith.constant 0 : index
      %get3A_62 = vector.load %arg7[%get3A_60, %get3A_61] : memref<5120x1xf32, #tpu.memory_space<vmem>>, vector<1280x1xf32>
      %reduce_sum3A_63 = arith.constant dense<0.000000e+00> : vector<1280xf32>
      %reduce_sum3A_64 = vector.multi_reduction <add>, %select_n3A_47, %reduce_sum3A_63 [1] : vector<1280x1280xf32> to vector<1280xf32>
      %broadcast_in_dim3A_65 = vector.shape_cast %reduce_sum3A_64 : vector<1280xf32> to vector<1280x1xf32>
      %add3A_66 = arith.addf %get3A_62, %broadcast_in_dim3A_65 : vector<1280x1xf32>
      %swap3A_67 = arith.index_cast %mul3A_59 : i32 to index
      %swap3A_68 = arith.constant 0 : index
      %swap3A_69 = vector.load %arg7[%swap3A_67, %swap3A_68] : memref<5120x1xf32, #tpu.memory_space<vmem>>, vector<1280x1xf32>
      tpu.vector_store %arg7[%swap3A_67, %swap3A_68], %add3A_66 {strides = array<i32>} : memref<5120x1xf32, #tpu.memory_space<vmem>>, vector<1280x1xf32>,
    } else {
    }
    %eq3A_16 = arith.constant 3 : i32
    %eq3A_17 = arith.cmpi eq, %arg0, %eq3A_16 : i32
    %eq3A_18 = arith.constant 3 : i32
    %eq3A_19 = arith.cmpi eq, %arg1, %eq3A_18 : i32
    %and3A_20 = arith.andi %eq3A_17, %eq3A_19 : i1
    %convert_element_type3A_21 = arith.extui %and3A_20 : i1 to i32
    %cond3A_22 = arith.constant 0 : i32
    %cond3A_23 = arith.cmpi ne, %convert_element_type3A_21, %cond3A_22 : i32
    scf.if %cond3A_23 {
      %get3A_24 = arith.constant 0 : index
      %get3A_25 = arith.constant 0 : index
      %get3A_26 = vector.load %arg6[%get3A_24, %get3A_25] : memref<1x5120xf32, #tpu.memory_space<vmem>>, vector<1x5120xf32>
      %swap3A = arith.constant 0 : index
      %swap3A_27 = arith.constant 0 : index
      %swap3A_28 = vector.load %arg4[%swap3A, %swap3A_27] : memref<1x5120xf32, #tpu.memory_space<vmem>>, vector<1x5120xf32>
      tpu.vector_store %arg4[%swap3A, %swap3A_27], %get3A_26 {strides = array<i32>} : memref<1x5120xf32, #tpu.memory_space<vmem>>, vector<1x5120xf32>,
      %get3A_29 = arith.constant 0 : index
      %get3A_30 = arith.constant 0 : index
      %get3A_31 = vector.load %arg7[%get3A_29, %get3A_30] : memref<5120x1xf32, #tpu.memory_space<vmem>>, vector<5120x1xf32>
      %swap3A_32 = arith.constant 0 : index
      %swap3A_33 = arith.constant 0 : index
      %swap3A_34 = vector.load %arg5[%swap3A_32, %swap3A_33] : memref<5120x1xf32, #tpu.memory_space<vmem>>, vector<5120x1xf32>
      tpu.vector_store %arg5[%swap3A_32, %swap3A_33], %get3A_31 {strides = array<i32>} : memref<5120x1xf32, #tpu.memory_space<vmem>>, vector<5120x1xf32>,
    } else {
    }
    return
  }
  func.func @transform_0(%arg0: i32, %arg1: i32) -> (i32, i32) {
    %c0_i32 = arith.constant 0 : i32
    %c0_i32_0 = arith.constant 0 : i32
    return %arg1, %c0_i32 : i32, i32
  }
  func.func @transform_1(%arg0: i32, %arg1: i32) -> (i32, i32) {
    %c0_i32 = arith.constant 0 : i32
    %c0_i32_0 = arith.constant 0 : i32
    return %c0_i32, %arg0 : i32, i32
  }
  func.func @transform_2(%arg0: i32, %arg1: i32) -> (i32, i32) {
    %c0_i32 = arith.constant 0 : i32
    %c0_i32_0 = arith.constant 0 : i32
    %c0_i32_1 = arith.constant 0 : i32
    return %c0_i32, %c0_i32_0 : i32, i32
  }
  func.func @transform_3(%arg0: i32, %arg1: i32) -> (i32, i32) {
    %c0_i32 = arith.constant 0 : i32
    %c0_i32_0 = arith.constant 0 : i32
    %c0_i32_1 = arith.constant 0 : i32
    return %c0_i32, %c0_i32_0 : i32, i32
  }
}

module attributes {stable_mosaic.version = 14 : i64} {
  func.func @_nms_body(%arg0: i32, %arg1: i32, %arg2: memref<1280x5xf32, #tpu.memory_space<vmem>>, %arg3: memref<5x1280xf32, #tpu.memory_space<vmem>>, %arg4: memref<1280x1xf32, #tpu.memory_space<vmem>>, %arg5: memref<1280x1xf32, #tpu.memory_space<vmem>>, %arg6: memref<1x5120xf32, #tpu.memory_space<vmem>>) attributes {dimension_semantics = [#tpu.dimension_semantics<arbitrary>, #tpu.dimension_semantics<arbitrary>], iteration_bounds = array<i64: 4, 4>, scalar_prefetch = 0 : i64, scratch_operands = 2 : i64, tpu.core_type = #tpu.core_type<tc>, window_params = [{transform_indices = @transform_0, window_bounds = array<i64: 1280, 5>}, {transform_indices = @transform_1, window_bounds = array<i64: 5, 1280>}, {transform_indices = @transform_2, window_bounds = array<i64: 1280, 1>}]} {
    %eq3A = arith.constant 0 : i32
    %eq3A_0 = arith.cmpi eq, %arg1, %eq3A : i32
    %convert_element_type3A = arith.extui %eq3A_0 : i1 to i32
    %cond3A = arith.constant 0 : i32
    %cond3A_1 = arith.cmpi ne, %convert_element_type3A, %cond3A : i32
    scf.if %cond3A_1 {
      %broadcast_in_dim3A = arith.constant 0.000000e+00 : f32
      %broadcast_in_dim3A_9 = vector.broadcast %broadcast_in_dim3A : f32 to vector<1280x1xf32>
      %swap3A = arith.constant 0 : index
      %swap3A_10 = arith.constant 0 : index
      %swap3A_11 = vector.load %arg4[%swap3A, %swap3A_10] : memref<1280x1xf32, #tpu.memory_space<vmem>>, vector<1280x1xf32>
      tpu.vector_store %arg4[%swap3A, %swap3A_10], %broadcast_in_dim3A_9 {strides = array<i32>} : memref<1280x1xf32, #tpu.memory_space<vmem>>, vector<1280x1xf32>,
      %broadcast_in_dim3A_12 = arith.constant 0.000000e+00 : f32
      %broadcast_in_dim3A_13 = vector.broadcast %broadcast_in_dim3A_12 : f32 to vector<1280x1xf32>
      %swap3A_14 = arith.constant 0 : index
      %swap3A_15 = arith.constant 0 : index
      %swap3A_16 = vector.load %arg5[%swap3A_14, %swap3A_15] : memref<1280x1xf32, #tpu.memory_space<vmem>>, vector<1280x1xf32>
      tpu.vector_store %arg5[%swap3A_14, %swap3A_15], %broadcast_in_dim3A_13 {strides = array<i32>} : memref<1280x1xf32, #tpu.memory_space<vmem>>, vector<1280x1xf32>,
    } else {
    }
    %lt3A = arith.cmpi slt, %arg1, %arg0 : i32
    %convert_element_type3A_2 = arith.extui %lt3A : i1 to i32
    %cond3A_3 = arith.constant 0 : i32
    %cond3A_4 = arith.cmpi ne, %convert_element_type3A_2, %cond3A_3 : i32
    scf.if %cond3A_4 {
      %get3A = arith.constant 0 : index
      %get3A_9 = arith.constant 0 : index
      %get3A_10 = vector.load %arg2[%get3A, %get3A_9] : memref<1280x5xf32, #tpu.memory_space<vmem>>, vector<1280x5xf32>
      %get3A_11 = arith.constant 0 : index
      %get3A_12 = arith.constant 0 : index
      %get3A_13 = vector.load %arg3[%get3A_11, %get3A_12] : memref<5x1280xf32, #tpu.memory_space<vmem>>, vector<5x1280xf32>
      %slice3A = vector.extract_strided_slice %get3A_10 {offsets = [0, 0], sizes = [1280, 1], strides = [1, 1]} : vector<1280x5xf32> to vector<1280x1xf32>
      %slice3A_14 = vector.extract_strided_slice %get3A_10 {offsets = [0, 1], sizes = [1280, 1], strides = [1, 1]} : vector<1280x5xf32> to vector<1280x1xf32>
      %slice3A_15 = vector.extract_strided_slice %get3A_10 {offsets = [0, 2], sizes = [1280, 1], strides = [1, 1]} : vector<1280x5xf32> to vector<1280x1xf32>
      %slice3A_16 = vector.extract_strided_slice %get3A_10 {offsets = [0, 3], sizes = [1280, 1], strides = [1, 1]} : vector<1280x5xf32> to vector<1280x1xf32>
      %slice3A_17 = vector.extract_strided_slice %get3A_13 {offsets = [0, 0], sizes = [1, 1280], strides = [1, 1]} : vector<5x1280xf32> to vector<1x1280xf32>
      %slice3A_18 = vector.extract_strided_slice %get3A_13 {offsets = [1, 0], sizes = [1, 1280], strides = [1, 1]} : vector<5x1280xf32> to vector<1x1280xf32>
      %slice3A_19 = vector.extract_strided_slice %get3A_13 {offsets = [2, 0], sizes = [1, 1280], strides = [1, 1]} : vector<5x1280xf32> to vector<1x1280xf32>
      %slice3A_20 = vector.extract_strided_slice %get3A_13 {offsets = [3, 0], sizes = [1, 1280], strides = [1, 1]} : vector<5x1280xf32> to vector<1x1280xf32>
      %min3A = vector.broadcast %slice3A_15 : vector<1280x1xf32> to vector<1280x1280xf32>
      %min3A_21 = vector.broadcast %slice3A_19 : vector<1x1280xf32> to vector<1280x1280xf32>
      %min3A_22 = arith.minimumf %min3A, %min3A_21 : vector<1280x1280xf32>
      %max3A = vector.broadcast %slice3A : vector<1280x1xf32> to vector<1280x1280xf32>
      %max3A_23 = vector.broadcast %slice3A_17 : vector<1x1280xf32> to vector<1280x1280xf32>
      %max3A_24 = arith.maximumf %max3A, %max3A_23 : vector<1280x1280xf32>
      %sub3A = arith.subf %min3A_22, %max3A_24 : vector<1280x1280xf32>
      %jit3A = arith.constant 0.000000e+00 : f32
      %max3A_25 = vector.broadcast %jit3A : f32 to vector<1280x1280xf32>
      %max3A_26 = arith.maximumf %max3A_25, %sub3A : vector<1280x1280xf32>
      %min3A_27 = vector.broadcast %slice3A_16 : vector<1280x1xf32> to vector<1280x1280xf32>
      %min3A_28 = vector.broadcast %slice3A_20 : vector<1x1280xf32> to vector<1280x1280xf32>
      %min3A_29 = arith.minimumf %min3A_27, %min3A_28 : vector<1280x1280xf32>
      %max3A_30 = vector.broadcast %slice3A_14 : vector<1280x1xf32> to vector<1280x1280xf32>
      %max3A_31 = vector.broadcast %slice3A_18 : vector<1x1280xf32> to vector<1280x1280xf32>
      %max3A_32 = arith.maximumf %max3A_30, %max3A_31 : vector<1280x1280xf32>
      %sub3A_33 = arith.subf %min3A_29, %max3A_32 : vector<1280x1280xf32>
      %jit3A_34 = arith.constant 0.000000e+00 : f32
      %max3A_35 = vector.broadcast %jit3A_34 : f32 to vector<1280x1280xf32>
      %max3A_36 = arith.maximumf %max3A_35, %sub3A_33 : vector<1280x1280xf32>
      %mul3A = arith.mulf %max3A_26, %max3A_36 : vector<1280x1280xf32>
      %sub3A_37 = arith.subf %slice3A_15, %slice3A : vector<1280x1xf32>
      %sub3A_38 = arith.subf %slice3A_16, %slice3A_14 : vector<1280x1xf32>
      %mul3A_39 = arith.mulf %sub3A_37, %sub3A_38 : vector<1280x1xf32>
      %sub3A_40 = arith.subf %slice3A_19, %slice3A_17 : vector<1x1280xf32>
      %sub3A_41 = arith.subf %slice3A_20, %slice3A_18 : vector<1x1280xf32>
      %mul3A_42 = arith.mulf %sub3A_40, %sub3A_41 : vector<1x1280xf32>
      %add3A = vector.broadcast %mul3A_39 : vector<1280x1xf32> to vector<1280x1280xf32>
      %add3A_43 = vector.broadcast %mul3A_42 : vector<1x1280xf32> to vector<1280x1280xf32>
      %add3A_44 = arith.addf %add3A, %add3A_43 : vector<1280x1280xf32>
      %sub3A_45 = arith.subf %add3A_44, %mul3A : vector<1280x1280xf32>
      %div3A = arith.divf %mul3A, %sub3A_45 : vector<1280x1280xf32>
      %get3A_46 = arith.constant 0 : index
      %get3A_47 = arith.constant 0 : index
      %get3A_48 = vector.load %arg5[%get3A_46, %get3A_47] : memref<1280x1xf32, #tpu.memory_space<vmem>>, vector<1280x1xf32>
      %reduce_max3A = arith.constant dense<0xFF800000> : vector<1280xf32>
      %reduce_max3A_49 = vector.multi_reduction <maximumf>, %div3A, %reduce_max3A [1] : vector<1280x1280xf32> to vector<1280xf32>
      %broadcast_in_dim3A = vector.shape_cast %reduce_max3A_49 : vector<1280xf32> to vector<1280x1xf32>
      %max3A_50 = arith.maximumf %get3A_48, %broadcast_in_dim3A : vector<1280x1xf32>
      %swap3A = arith.constant 0 : index
      %swap3A_51 = arith.constant 0 : index
      %swap3A_52 = vector.load %arg5[%swap3A, %swap3A_51] : memref<1280x1xf32, #tpu.memory_space<vmem>>, vector<1280x1xf32>
      tpu.vector_store %arg5[%swap3A, %swap3A_51], %max3A_50 {strides = array<i32>} : memref<1280x1xf32, #tpu.memory_space<vmem>>, vector<1280x1xf32>,
      %mul3A_53 = arith.constant 1280 : i32
      %mul3A_54 = arith.muli %arg1, %mul3A_53 : i32
      %get3A_55 = arith.constant 0 : index
      %get3A_56 = arith.index_cast %mul3A_54 : i32 to index
      %get3A_57 = vector.load %arg6[%get3A_55, %get3A_56] : memref<1x5120xf32, #tpu.memory_space<vmem>>, vector<1x1280xf32>
      %mul3A_58 = arith.mulf %div3A, %div3A : vector<1280x1280xf32>
      %sub3A_59 = vector.broadcast %get3A_57 : vector<1x1280xf32> to vector<1280x1280xf32>
      %sub3A_60 = arith.subf %mul3A_58, %sub3A_59 : vector<1280x1280xf32>
      %get3A_61 = arith.constant 0 : index
      %get3A_62 = arith.constant 0 : index
      %get3A_63 = vector.load %arg4[%get3A_61, %get3A_62] : memref<1280x1xf32, #tpu.memory_space<vmem>>, vector<1280x1xf32>
      %reduce_max3A_64 = arith.constant dense<0xFF800000> : vector<1280xf32>
      %reduce_max3A_65 = vector.multi_reduction <maximumf>, %sub3A_60, %reduce_max3A_64 [1] : vector<1280x1280xf32> to vector<1280xf32>
      %broadcast_in_dim3A_66 = vector.shape_cast %reduce_max3A_65 : vector<1280xf32> to vector<1280x1xf32>
      %max3A_67 = arith.maximumf %get3A_63, %broadcast_in_dim3A_66 : vector<1280x1xf32>
      %swap3A_68 = arith.constant 0 : index
      %swap3A_69 = arith.constant 0 : index
      %swap3A_70 = vector.load %arg4[%swap3A_68, %swap3A_69] : memref<1280x1xf32, #tpu.memory_space<vmem>>, vector<1280x1xf32>
      tpu.vector_store %arg4[%swap3A_68, %swap3A_69], %max3A_67 {strides = array<i32>} : memref<1280x1xf32, #tpu.memory_space<vmem>>, vector<1280x1xf32>,
    } else {
    }
    %eq3A_5 = arith.cmpi eq, %arg1, %arg0 : i32
    %convert_element_type3A_6 = arith.extui %eq3A_5 : i1 to i32
    %cond3A_7 = arith.constant 0 : i32
    %cond3A_8 = arith.cmpi ne, %convert_element_type3A_6, %cond3A_7 : i32
    scf.if %cond3A_8 {
      %get3A = arith.constant 0 : index
      %get3A_9 = arith.constant 0 : index
      %get3A_10 = vector.load %arg2[%get3A, %get3A_9] : memref<1280x5xf32, #tpu.memory_space<vmem>>, vector<1280x5xf32>
      %get3A_11 = arith.constant 0 : index
      %get3A_12 = arith.constant 0 : index
      %get3A_13 = vector.load %arg3[%get3A_11, %get3A_12] : memref<5x1280xf32, #tpu.memory_space<vmem>>, vector<5x1280xf32>
      %slice3A = vector.extract_strided_slice %get3A_10 {offsets = [0, 0], sizes = [1280, 1], strides = [1, 1]} : vector<1280x5xf32> to vector<1280x1xf32>
      %slice3A_14 = vector.extract_strided_slice %get3A_10 {offsets = [0, 1], sizes = [1280, 1], strides = [1, 1]} : vector<1280x5xf32> to vector<1280x1xf32>
      %slice3A_15 = vector.extract_strided_slice %get3A_10 {offsets = [0, 2], sizes = [1280, 1], strides = [1, 1]} : vector<1280x5xf32> to vector<1280x1xf32>
      %slice3A_16 = vector.extract_strided_slice %get3A_10 {offsets = [0, 3], sizes = [1280, 1], strides = [1, 1]} : vector<1280x5xf32> to vector<1280x1xf32>
      %slice3A_17 = vector.extract_strided_slice %get3A_13 {offsets = [0, 0], sizes = [1, 1280], strides = [1, 1]} : vector<5x1280xf32> to vector<1x1280xf32>
      %slice3A_18 = vector.extract_strided_slice %get3A_13 {offsets = [1, 0], sizes = [1, 1280], strides = [1, 1]} : vector<5x1280xf32> to vector<1x1280xf32>
      %slice3A_19 = vector.extract_strided_slice %get3A_13 {offsets = [2, 0], sizes = [1, 1280], strides = [1, 1]} : vector<5x1280xf32> to vector<1x1280xf32>
      %slice3A_20 = vector.extract_strided_slice %get3A_13 {offsets = [3, 0], sizes = [1, 1280], strides = [1, 1]} : vector<5x1280xf32> to vector<1x1280xf32>
      %min3A = vector.broadcast %slice3A_15 : vector<1280x1xf32> to vector<1280x1280xf32>
      %min3A_21 = vector.broadcast %slice3A_19 : vector<1x1280xf32> to vector<1280x1280xf32>
      %min3A_22 = arith.minimumf %min3A, %min3A_21 : vector<1280x1280xf32>
      %max3A = vector.broadcast %slice3A : vector<1280x1xf32> to vector<1280x1280xf32>
      %max3A_23 = vector.broadcast %slice3A_17 : vector<1x1280xf32> to vector<1280x1280xf32>
      %max3A_24 = arith.maximumf %max3A, %max3A_23 : vector<1280x1280xf32>
      %sub3A = arith.subf %min3A_22, %max3A_24 : vector<1280x1280xf32>
      %jit3A = arith.constant 0.000000e+00 : f32
      %max3A_25 = vector.broadcast %jit3A : f32 to vector<1280x1280xf32>
      %max3A_26 = arith.maximumf %max3A_25, %sub3A : vector<1280x1280xf32>
      %min3A_27 = vector.broadcast %slice3A_16 : vector<1280x1xf32> to vector<1280x1280xf32>
      %min3A_28 = vector.broadcast %slice3A_20 : vector<1x1280xf32> to vector<1280x1280xf32>
      %min3A_29 = arith.minimumf %min3A_27, %min3A_28 : vector<1280x1280xf32>
      %max3A_30 = vector.broadcast %slice3A_14 : vector<1280x1xf32> to vector<1280x1280xf32>
      %max3A_31 = vector.broadcast %slice3A_18 : vector<1x1280xf32> to vector<1280x1280xf32>
      %max3A_32 = arith.maximumf %max3A_30, %max3A_31 : vector<1280x1280xf32>
      %sub3A_33 = arith.subf %min3A_29, %max3A_32 : vector<1280x1280xf32>
      %jit3A_34 = arith.constant 0.000000e+00 : f32
      %max3A_35 = vector.broadcast %jit3A_34 : f32 to vector<1280x1280xf32>
      %max3A_36 = arith.maximumf %max3A_35, %sub3A_33 : vector<1280x1280xf32>
      %mul3A = arith.mulf %max3A_26, %max3A_36 : vector<1280x1280xf32>
      %sub3A_37 = arith.subf %slice3A_15, %slice3A : vector<1280x1xf32>
      %sub3A_38 = arith.subf %slice3A_16, %slice3A_14 : vector<1280x1xf32>
      %mul3A_39 = arith.mulf %sub3A_37, %sub3A_38 : vector<1280x1xf32>
      %sub3A_40 = arith.subf %slice3A_19, %slice3A_17 : vector<1x1280xf32>
      %sub3A_41 = arith.subf %slice3A_20, %slice3A_18 : vector<1x1280xf32>
      %mul3A_42 = arith.mulf %sub3A_40, %sub3A_41 : vector<1x1280xf32>
      %add3A = vector.broadcast %mul3A_39 : vector<1280x1xf32> to vector<1280x1280xf32>
      %add3A_43 = vector.broadcast %mul3A_42 : vector<1x1280xf32> to vector<1280x1280xf32>
      %add3A_44 = arith.addf %add3A, %add3A_43 : vector<1280x1280xf32>
      %sub3A_45 = arith.subf %add3A_44, %mul3A : vector<1280x1280xf32>
      %div3A = arith.divf %mul3A, %sub3A_45 : vector<1280x1280xf32>
      %mul3A_46 = arith.constant 1280 : i32
      %mul3A_47 = arith.muli %arg0, %mul3A_46 : i32
      %iota3A = tpu.iota {dimensions = array<i32: 0>} : vector<1280x1280xi32>
      %add3A_48 = vector.broadcast %mul3A_47 : i32 to vector<1280x1280xi32>
      %add3A_49 = arith.addi %add3A_48, %iota3A : vector<1280x1280xi32>
      %mul3A_50 = arith.constant 1280 : i32
      %mul3A_51 = arith.muli %arg1, %mul3A_50 : i32
      %iota3A_52 = tpu.iota {dimensions = array<i32: 1>} : vector<1280x1280xi32>
      %add3A_53 = vector.broadcast %mul3A_51 : i32 to vector<1280x1280xi32>
      %add3A_54 = arith.addi %add3A_53, %iota3A_52 : vector<1280x1280xi32>
      %lt3A_55 = arith.cmpi slt, %add3A_54, %add3A_49 : vector<1280x1280xi32>
      %get3A_56 = arith.constant 0 : index
      %get3A_57 = arith.constant 0 : index
      %get3A_58 = vector.load %arg5[%get3A_56, %get3A_57] : memref<1280x1xf32, #tpu.memory_space<vmem>>, vector<1280x1xf32>
      %jit3A_59 = arith.constant 0.000000e+00 : f32
      %broadcast_in_dim3A = vector.broadcast %jit3A_59 : f32 to vector<1280x1280xf32>
      %select_n3A = arith.select %lt3A_55, %div3A, %broadcast_in_dim3A : vector<1280x1280xi1>, vector<1280x1280xf32>
      %reduce_max3A = arith.constant dense<0xFF800000> : vector<1280xf32>
      %reduce_max3A_60 = vector.multi_reduction <maximumf>, %select_n3A, %reduce_max3A [1] : vector<1280x1280xf32> to vector<1280xf32>
      %broadcast_in_dim3A_61 = vector.shape_cast %reduce_max3A_60 : vector<1280xf32> to vector<1280x1xf32>
      %max3A_62 = arith.maximumf %get3A_58, %broadcast_in_dim3A_61 : vector<1280x1xf32>
      %mul3A_63 = arith.mulf %max3A_62, %max3A_62 : vector<1280x1xf32>
      %reshape3A = vector.shape_cast %mul3A_63 : vector<1280x1xf32> to vector<1x1280xf32>
      %mul3A_64 = arith.constant 1280 : i32
      %mul3A_65 = arith.muli %arg0, %mul3A_64 : i32
      %swap3A = arith.constant 0 : index
      %swap3A_66 = arith.index_cast %mul3A_65 : i32 to index
      %swap3A_67 = vector.load %arg6[%swap3A, %swap3A_66] : memref<1x5120xf32, #tpu.memory_space<vmem>>, vector<1x1280xf32>
      tpu.vector_store %arg6[%swap3A, %swap3A_66], %reshape3A {strides = array<i32>} : memref<1x5120xf32, #tpu.memory_space<vmem>>, vector<1x1280xf32>,
      %mul3A_68 = arith.mulf %div3A, %div3A : vector<1280x1280xf32>
      %sub3A_69 = vector.broadcast %reshape3A : vector<1x1280xf32> to vector<1280x1280xf32>
      %sub3A_70 = arith.subf %mul3A_68, %sub3A_69 : vector<1280x1280xf32>
      %jit3A_71 = arith.constant -1.000000e+30 : f32
      %broadcast_in_dim3A_72 = vector.broadcast %jit3A_71 : f32 to vector<1280x1280xf32>
      %select_n3A_73 = arith.select %lt3A_55, %sub3A_70, %broadcast_in_dim3A_72 : vector<1280x1280xi1>, vector<1280x1280xf32>
      %get3A_74 = arith.constant 0 : index
      %get3A_75 = arith.constant 0 : index
      %get3A_76 = vector.load %arg4[%get3A_74, %get3A_75] : memref<1280x1xf32, #tpu.memory_space<vmem>>, vector<1280x1xf32>
      %reduce_max3A_77 = arith.constant dense<0xFF800000> : vector<1280xf32>
      %reduce_max3A_78 = vector.multi_reduction <maximumf>, %select_n3A_73, %reduce_max3A_77 [1] : vector<1280x1280xf32> to vector<1280xf32>
      %broadcast_in_dim3A_79 = vector.shape_cast %reduce_max3A_78 : vector<1280xf32> to vector<1280x1xf32>
      %max3A_80 = arith.maximumf %get3A_76, %broadcast_in_dim3A_79 : vector<1280x1xf32>
      %get3A_81 = arith.constant 0 : index
      %get3A_82 = arith.constant 4 : index
      %get3A_83 = vector.load %arg2[%get3A_81, %get3A_82] : memref<1280x5xf32, #tpu.memory_space<vmem>>, vector<1280x1xf32>
      %neg3A = arith.constant 0.000000e+00 : f32
      %neg3A_84 = vector.broadcast %neg3A : f32 to vector<1280x1xf32>
      %neg3A_85 = arith.subf %neg3A_84, %max3A_80 : vector<1280x1xf32>
      %div3A_86 = arith.constant 5.000000e-01 : f32
      %div3A_87 = vector.broadcast %div3A_86 : f32 to vector<1280x1xf32>
      %div3A_88 = arith.divf %neg3A_85, %div3A_87 : vector<1280x1xf32>
      %exp3A = math.exp %div3A_88 : vector<1280x1xf32>
      %mul3A_89 = arith.mulf %get3A_83, %exp3A : vector<1280x1xf32>
      %ge3A = arith.constant 5.000000e-02 : f32
      %ge3A_90 = vector.broadcast %ge3A : f32 to vector<1280x1xf32>
      %ge3A_91 = arith.cmpf oge, %mul3A_89, %ge3A_90 : vector<1280x1xf32>
      %jit3A_92 = arith.constant 0.000000e+00 : f32
      %broadcast_in_dim3A_93 = vector.broadcast %jit3A_92 : f32 to vector<1280x1xf32>
      %select_n3A_94 = arith.select %ge3A_91, %mul3A_89, %broadcast_in_dim3A_93 : vector<1280x1xi1>, vector<1280x1xf32>
      %swap3A_95 = arith.constant 0 : index
      %swap3A_96 = arith.constant 0 : index
      %swap3A_97 = vector.load %arg4[%swap3A_95, %swap3A_96] : memref<1280x1xf32, #tpu.memory_space<vmem>>, vector<1280x1xf32>
      tpu.vector_store %arg4[%swap3A_95, %swap3A_96], %select_n3A_94 {strides = array<i32>} : memref<1280x1xf32, #tpu.memory_space<vmem>>, vector<1280x1xf32>,
    } else {
    }
    return
  }
  func.func @transform_0(%arg0: i32, %arg1: i32) -> (i32, i32) {
    %c0_i32 = arith.constant 0 : i32
    %c0_i32_0 = arith.constant 0 : i32
    return %arg0, %c0_i32 : i32, i32
  }
  func.func @transform_1(%arg0: i32, %arg1: i32) -> (i32, i32) {
    %c0_i32 = arith.constant 0 : i32
    %c0_i32_0 = arith.constant 0 : i32
    return %c0_i32, %arg1 : i32, i32
  }
  func.func @transform_2(%arg0: i32, %arg1: i32) -> (i32, i32) {
    %c0_i32 = arith.constant 0 : i32
    %c0_i32_0 = arith.constant 0 : i32
    return %arg0, %c0_i32 : i32, i32
  }
}

</mosaic_0001>

<sc_bundles>
// kernel: kernel.5.cloned.1.call-start
scs
__scs_entry_jumppad:
0x0: {  	(pc) =	sbr.rel $0x88, $3  }
0x1: {  	(tag) =	ssettag $0x0;
	lr =	simm.s32 $0x1  }
0x2: {  	[smem:$0x3F9F] =	sst lr;
	_ =	strace $0xD0000000  }
0x3: {  	_ = 	snop  }
0x4: {  	_ = 	snop  }
0x5: {  	_ = 	snop  }
0x6: {  	_ = 	snop  }
0x7: {  	_ = 	snop  }
__scs_overlays_trampoline_lowered:
0x8: {  	[smem:$0x3FAE] =	sst s0  }
0x9: {  	[smem:$0x3FAF] =	sst s1  }
0xa: {  	[smem:$0x3FB0] =	sst s2  }
0xb: {  	[smem:$0x3FB1] =	sst s3  }
0xc: {  	[smem:$0x3FB2] =	sst s4  }
0xd: {  	[smem:$0x3FB3] =	sst s5  }
0xe: {  	[smem:$0x3FB4] =	sst s6  }
0xf: {  	[smem:$0x3FB5] =	sst s7  }
0x10: {  	[smem:$0x3FB6] =	sst s8  }
0x11: {  	[smem:$0x3FB7] =	sst s9;
	s0 =	simm.s32 @!p0 $0x0  }
0x12: {  	s1 =	sld [smem:$0x3F9D];
	s0 =	simm.s32 @p0 $0x1  }
0x13: {  	[smem:$0x3FB8] =	sst s0;
	s0 =	simm.s32 @!p1 $0x0  }
0x14: {  	s2 =	sld [smem:$0x3F9C];
	s0 =	simm.s32 @p1 $0x1  }
0x15: {  	[smem:$0x3FB9] =	sst s0;
	s0 =	simm.s32 @!p2 $0x0  }
0x16: {  	s3 =	sld [smem:$0x3FDB];
	s0 =	simm.s32 @p2 $0x1  }
0x17: {  	s4 =	simm.s32 $0x1BF5;
	[smem:$0x3FBB] =	sst s0  }
0x18: {  	s0 =	sld [smem:$0x3F9E];
	_ =	swait.ge [sflag:s4], $0x0  }
0x19: {  	s7 =	sld [smem:$0x3F9F]  }
0x1a: {  	s8 =	sadd.s32 $0xFFFFE003, lr  }
0x1b: {  	s9 =	sadd.s32 $0xFFFFFEF7, lr;
	s5 =	simm.s32 $0xFFFFFFFF;
	p2 =	slt.u32 s8, $0xFFFFF086  }
0x1c: {  	p1 =	slt.u32 s9, $0xF7A;
	s5 =	simm.s32 @!p2 $0x0  }
0x1d: {  	s5 =	simm.s32 @p1 $0x1;
	p0 =	seq.s32 s7, s2  }
0x1e: {  	s7 =	smul.u32 @!p0 $0xF7A, s2;
	p2 =	seq.s32 @!p0 s5, $0x0  }
0x1f: {  	s9 =	smul.u32 $0xF7A, s1;
	s8 =	simm.s32 @!p0 $0x1BF5;
	p2 =	por !p2, p0  }
0x20: {  	[sflag:s8] =	ssyncset.s32 @!p0 $0xFFFFF086;
	s6 =	sadd.s32 @!p0 s3, s7;
	s7 =	simm.s32 @!p0 $0x108  }
0x21: {  	s3 =	sadd.s32 s3, s9;
	s6 =	sadd.s32 @!p0 $0x88, s6;
	s7 =	simm.s32 @p2 $0x1082  }
0x22: {  	[simem:s7], [sflag:s8] =	dma.local @!p0 [hbm:s6], $0xF7A  }
0x23: {  	s9 =	sor.u32 $0xD0000000, s2;
	s6 =	simm.s32 $0x108;
	_ =	swait.ge @!p0 [sflag:s8], $0x0  }
0x24: {  	s3 =	sadd.s32 $0x88, s3;
	s6 =	simm.s32 @!p1 $0x1082;
	[sflag:s4] =	ssyncset.s32 $0xFFFFF086  }
0x25: {  	[simem:s6], [sflag:s4] =	dma.local [hbm:s3], $0xF7A  }
0x26: {  	[smem:$0x3F9F] =	sst s1;
	(tag) =	ssettag s2;
	_ =	strace s9  }
0x27: {  	s1 =	sld [smem:$0x3FAF]  }
0x28: {  	s2 =	sld [smem:$0x3FB0]  }
0x29: {  	s4 =	sld [smem:$0x3FB2]  }
0x2a: {  	p0 =	seq.s32 s5, $0x0;
	s5 =	sld [smem:$0x3FB3]  }
0x2b: {  	s6 =	sld [smem:$0x3FB4]  }
0x2c: {  	s7 =	sld [smem:$0x3FB5]  }
0x2d: {  	s3 =	simm.s32 $0x108;
	s8 =	sld [smem:$0x3FB6]  }
0x2e: {  	s3 =	simm.s32 @!p0 $0x1082;
	s9 =	sld [smem:$0x3FB7]  }
0x2f: {  	lr =	sadd.s32 s0, s3;
	s0 =	sld [smem:$0x3FAE]  }
0x30: {  	s3 =	sld [smem:$0x3FB1]  }
0x31: {  	[smem:$0x3FBA] =	sst s10  }
0x32: {  	s10 =	sld [smem:$0x3FB8];
	_ =	sdelay $0x3  }
0x33: {  	p0 =	seq.s32 s10, $0x1;
	s10 =	sld [smem:$0x3FBA];
	_ =	sdelay $0x3  }
0x34: {  	[smem:$0x3FBA] =	sst s10  }
0x35: {  	s10 =	sld [smem:$0x3FB9];
	_ =	sdelay $0x3  }
0x36: {  	p1 =	seq.s32 s10, $0x1;
	s10 =	sld [smem:$0x3FBA];
	_ =	sdelay $0x3  }
0x37: {  	[smem:$0x3FBA] =	sst s10  }
0x38: {  	s10 =	sld [smem:$0x3FBB]  }
0x39: {  	_ = 	snop;
	(pc) =	sbr.ind lr, $3  }
0x3a: {  	_ = 	snop  }
0x3b: {  	_ = 	snop  }
0x3c: {  	p2 =	seq.s32 s10, $0x1;
	s10 =	sld [smem:$0x3FBA]  }
0x3d: {  	_ =	shalt  }
0x3e: {  	_ =	shalt  }
0x3f: {  	_ =	shalt  }
0x40: {  	_ =	shalt  }
0x41: {  	_ =	shalt  }
0x42: {  	_ =	shalt  }
0x43: {  	_ =	shalt  }
0x44: {  	_ =	shalt  }
0x45: {  	_ =	shalt  }
0x46: {  	_ =	shalt  }
0x47: {  	_ =	shalt  }
0x48: {  	_ =	shalt  }
0x49: {  	_ =	shalt  }
0x4a: {  	_ =	shalt  }
0x4b: {  	_ =	shalt  }
0x4c: {  	_ =	shalt  }
0x4d: {  	_ =	shalt  }
0x4e: {  	_ =	shalt  }
0x4f: {  	_ =	shalt  }
0x50: {  	_ =	shalt  }
0x51: {  	_ =	shalt  }
0x52: {  	_ =	shalt  }
0x53: {  	_ =	shalt  }
0x54: {  	_ =	shalt  }
0x55: {  	_ =	shalt  }
0x56: {  	_ =	shalt  }
0x57: {  	_ =	shalt  }
0x58: {  	_ =	shalt  }
0x59: {  	_ =	shalt  }
0x5a: {  	_ =	shalt  }
0x5b: {  	_ =	shalt  }
0x5c: {  	_ =	shalt  }
0x5d: {  	_ =	shalt  }
0x5e: {  	_ =	shalt  }
0x5f: {  	_ =	shalt  }
0x60: {  	_ =	shalt  }
0x61: {  	_ =	shalt  }
0x62: {  	_ =	shalt  }
0x63: {  	_ =	shalt  }
0x64: {  	_ =	shalt  }
0x65: {  	_ =	shalt  }
0x66: {  	_ =	shalt  }
0x67: {  	_ =	shalt  }
0x68: {  	_ =	shalt  }
0x69: {  	_ =	shalt  }
0x6a: {  	_ =	shalt  }
0x6b: {  	_ =	shalt  }
0x6c: {  	_ =	shalt  }
0x6d: {  	_ =	shalt  }
0x6e: {  	_ =	shalt  }
0x6f: {  	_ =	shalt  }
0x70: {  	_ =	shalt  }
0x71: {  	_ =	shalt  }
0x72: {  	_ =	shalt  }
0x73: {  	_ =	shalt  }
0x74: {  	_ =	shalt  }
0x75: {  	_ =	shalt  }
0x76: {  	_ =	shalt  }
0x77: {  	_ =	shalt  }
0x78: {  	_ =	shalt  }
0x79: {  	_ =	shalt  }
0x7a: {  	_ =	shalt  }
0x7b: {  	_ =	shalt  }
0x7c: {  	_ =	shalt  }
0x7d: {  	_ =	shalt  }
0x7e: {  	_ =	shalt  }
0x7f: {  	_ =	shalt  }
0x80: {  	_ =	shalt  }
0x81: {  	_ =	shalt  }
0x82: {  	_ =	shalt  }
0x83: {  	_ =	shalt  }
0x84: {  	_ =	shalt  }
0x85: {  	_ =	shalt  }
0x86: {  	_ =	shalt  }
0x87: {  	_ =	shalt  }
.Lfunc_end0:
.L_simem_size_0:
called_computation_lowered:
.L_overlay_start_0:
0x88: {  	s2 =	sld [smem:$0x3FD9]  }
0x89: {  	s3 =	sld [smem:$0x3FFE];
	_ =	sdelay $0x1  }
0x8a: {  	s1 =	srdreg.scid  }
0x8b: {  	s0 =	sand.u32 $0x1, s1  }
0x8c: {  	s17 =	sshll.u32 s0, $0xA;
	s2 =	sadd.s32 s3, s2  }
0x8d: {  	s2 =	sadd.s32 s2, s17  }
0x8e: {  	[smem:$0x3FC6] =	sst s2  }
0x8f: {  	_ = 	snop  }
0x90: {  	s2 =	sld [smem:$0x3FD0];
	(tm) =	ssettm $0x1  }
0x91: {  	s18 =	sld [smem:$0x3FFB];
	_ =	sdelay $0x3  }
0x92: {  	_ =	strace s18  }
0x93: {  	s3 =	sld [smem:$0x3FFC];
	_ =	sdelay $0x3  }
0x94: {  	_ =	strace s3  }
0x95: {  	s3 =	sld [smem:$0x3FFD];
	_ =	sdelay $0x3  }
0x96: {  	_ =	strace s3  }
0x97: {  	_ =	strace $0x8FFFFFFF  }
0x98: {  	s19 =	sld [smem:$0x3FDB];
	_ =	sdelay $0x1  }
0x99: {  	s4 =	simm.s32 $_scs_section_size  }
0x9a: {  	s5 =	simm.s32 $_size__tile_overlayer_lowered;
	s6 =	simm.s32 $_tile_overlayer_lowered  }
0x9b: {  	s22 =	simm.s32 $0x1BFF;
	s21 =	sshll.u32 s6, $0x1;
	s3 =	sadd.s32 s4, s19  }
0x9c: {  	s7 =	simm.s32 $0x0;
	s20 =	sshll.u32 s5, $0x1;
	s5 =	sadd.s32 s21, s3  }
0x9d: {  	[timem:s7], [sflag:s22] =	dma.local [hbm:s5], s20  }
0x9e: {  	_ =	swait.ge [sflag:s22], s20  }
0x9f: {  	s4 =	ssub.s32 $0x0, s20;
	[sflag:s22] =	ssyncset.done $0x0  }
0xa0: {  	[sflag:s22] =	ssyncadd.s32 s4;
	_ =	sdelay $0x1  }
0xa1: {  	s23 =	simm.s32 $0x1B8B  }
0xa2: {  	_ =	swait.ge [sflag:s23], $0x1  }
0xa3: {  	[sflag:s23] =	ssyncset.done $0x0  }
0xa4: {  	s25 =	simm.s32 $0x1B8E;
	s24 =	sld [smem:$0x3FFE];
	[sflag:s23] =	ssyncadd.s32 $0xFFFFFFFF  }
0xa5: {  	s26 =	simm.s32 $execute0_lowered;
	[smem:$0x3FD2] =	sst s25  }
0xa6: {  	s5 =	sshll.u32 s26, $0x1;
	_ =	strace $0x80000046;
	[dreg:$0x1] =	wrdreg $0xFFFFFFFF  }
0xa7: {  	s28 =	simm.s32 $_size_execute0_lowered;
	s3 =	sadd.s32 s3, s5;
	[dreg:$0x0] =	wrdreg $0x0  }
0xa8: {  	s5 =	sshll.u32 s28, $0x1;
	[dreg:$0x2] =	wrdreg s3  }
0xa9: {  	[dreg:$0x3] =	wrdreg s5  }
0xaa: {  	[dreg:$0x4] =	wrdreg $0xC0  }
0xab: {  	_ =	task [dreg:s7], $0x5FFFF  }
0xac: {  	[dreg:$0x1] =	wrdreg $0xFFFFFFFF  }
0xad: {  	[dreg:$0x0] =	wrdreg $0x60  }
0xae: {  	[dreg:$0x2] =	wrdreg s2  }
0xaf: {  	[dreg:$0x3] =	wrdreg s24  }
0xb0: {  	[dreg:$0x4] =	wrdreg $0x9  }
0xb1: {  	_ =	task.clear_ibuf [dreg:s7], $0x5FFFF;
	_ =	strace $0x90000046  }
0xb2: {  	s29 =	simm.s32 $0x9;
	_ =	strace $0x80000048  }
0xb3: {  	_ =	swait.ge [sflag:s29], $0x1  }
0xb4: {  	[sflag:s29] =	ssyncadd.s32 $0xFFFFFFFF  }
0xb5: {  	_ =	strace $0x90000048  }
0xb6: {  	_ =	sfence  }
0xb7: {  	s30 =	sld [smem:$0x0];
	_ =	sdelay $0x2  }
0xb8: {  	s31 =	sshll.u32 s1, $0xD;
	s1 =	sshrl.u32 s1, $0x2  }
0xb9: {  	s3 =	sand.u32 $0x4000, s31;
	s1 =	sadd.s32 s1, s30  }
0xba: {  	s0 =	sor.u32 s3, s0;
	s1 =	sshll.u32 s1, $0x11  }
0xbb: {  	s0 =	sor.u32 s1, s0  }
0xbc: {  	s0 =	sadd.s32 $0x8F2B, s0  }
0xbd: {  	[sflag:s0] =	ssyncadd.remote.s32 $0x1  }
0xbe: {  	_ =	sfence.sel $0xFFFF  }
0xbf: {  	[dreg:$0x0] =	wrdreg $0xFFFFFFFF;
	(pc) =	sbr.abs _section_cstart, $3  }
0xc0: {  	[dreg:$0x1] =	wrdreg $0xFFFFFFFF  }
0xc1: {  	_ =	task.clear_ibuf [dreg:s7], $0x2FFFF;
	_ =	strace $0x9FFFFFFF  }
0xc2: {  	(tm) =	ssettm $0x7FFFFFFF  }
0xc3: {  	_ =	shalt  }
tec
execute0_lowered:
.L_overlay_start_1:
0x0: {  	(tag) =	ssettag $0x1  }
0x1: {  	s1 =	srdreg.scid;
	s0 =	stileid.u32  }
0x2: {  	s4 =	sand.u32 $0x1, s1;
	s6 =	sshll.u32 s0, $0x1  }
0x3: {  	s6 =	sor.u32 s4, s6  }
0x4: {  	p0 =	sgt.u32 s6, $0x4  }
.Ltmp0:
0x5: {  	_ = 	snop;
	(pc) =	sbr.rel @p0 .LBB2_5-.Ltmp0, $4  }
0x6: {  	s2 =	rddreg [dreg:$0x0]  }
0x7: {  	s5 =	rddreg [dreg:$0x1];
	s3 =	simm.s32 $0x0  }
0x8: {  	[smem:$0x7FF] =	sst s3  }
0x9: {  	s1 =	rddreg [dreg:$0x2];
	_ =	strace $0x80000047  }
0xa: {  	s7 =	ssub.s32 $0x2, s4;
	s6 =	sshll.u32 s6, $0x4;
	s4 =	sadd.s32 $0x1600, s5  }
0xb: {  	s9 =	simm.s32 $0x1400;
	s10 =	simm.s32 $0x80;
	s11 =	simm.s32 $0x400  }
0xc: {  	s12 =	simm.s32 $0x2800;
	s8 =	sshrl.u32 s7, $0x1;
	s6 =	sadd.s32 s6, s5  }
0xd: {  	s13 =	simm.s32 $0x3C00;
	s7 =	ssub.s32 s7, s8;
	s5 =	sadd.s32 $0x200, s6  }
0xe: {  	s6 =	sadd.s32 $0x1A00, s6;
	s8 =	simm.s32 $0x1;
	s7 =	smax.u32 s7, $0x1  }
.LBB2_2:
0xf: {  	s14 =	simm.s32 $0x0  }
0x10: {  	[tilespmem:s14], [sflag:$0x1] =	stream.linear.gather [hbm4b:s2+s14], $0x1400, $0x38;
	[tilespmem:$0x5000] =	vst v63  }
0x11: {  	_ =	swait.ge [sflag:s8], $0x1400  }
0x12: {  	[sflag:s8] =	ssyncset.done $0x0  }
0x13: {  	[sflag:s8] =	ssyncadd.s32 $0xFFFFEC00  }
0x14: {  	[tilespmem:s9], [sflag:$0x1] =	stream.linear.gather [hbm4b:s4+s14], $0x1400, $0x38;
	[tilespmem:$0x5000] =	vst v63  }
0x15: {  	_ =	swait.ge [sflag:s8], $0x1400  }
0x16: {  	[sflag:s8] =	ssyncset.done $0x0  }
0x17: {  	[sflag:s8] =	ssyncadd.s32 $0xFFFFEC00  }
0x18: {  	[tilespmem:s12], [sflag:$0x1] =	stream.strided.gather [hbm4b:s5+s10], $0x1400, s11, s10, $0x38;
	[tilespmem:$0x5000] =	vst v63  }
0x19: {  	_ =	swait.ge [sflag:s8], $0x1400  }
0x1a: {  	[sflag:s8] =	ssyncset.done $0x0  }
0x1b: {  	s14 =	simm.s32 $0x0;
	[sflag:s8] =	ssyncadd.s32 $0xFFFFEC00  }
0x1c: {  	s15 =	simm.s32 $0x40;
	v0 =	vld [tilespmem:s14+$0x1400]  }
.LBB2_3:
0x1d: {  	p0 =	sne.s32 s15, $0x4FC0;
	v1 =	vld [tilespmem:s14+$0x0];
	_ =	sdelay $0x4  }
0x1e: {  	v0 =	vadd.f32 v0, v1;
	_ =	sdelay $0x1  }
0x1f: {  	v0 =	vtrunc.f32 v0  }
0x20: {  	v0 =	vcvt.f32.s32 v0  }
0x21: {  	v1 =	vld [tilespmem:s14+$0x2800];
	_ =	sdelay $0x1  }
.Ltmp1:
0x22: {  	(pc) =	sbr.rel @p0 .LBB2_3-.Ltmp1, $3  }
0x23: {  	_ =	sdelay $0x1  }
0x24: {  	s14 =	sshra.s32 s15, $0x2;
	[tilespmem:v0+s13+$0x0] =	vst.idx.msk $0xffff, v1  }
0x25: {  	s15 =	sadd.s32 $0x40, s15;
	v0 =	vld [tilespmem:s14+$0x1400]  }
0x26: {  	v1 =	vld [tilespmem:s14+$0x0];
	_ =	sdelay $0x4  }
0x27: {  	v0 =	vadd.f32 v0, v1;
	_ =	sdelay $0x1  }
0x28: {  	v0 =	vtrunc.f32 v0  }
0x29: {  	v0 =	vcvt.f32.s32 v0  }
0x2a: {  	v63 =	vld [tilespmem:s14+$0x2800];
	_ =	sdelay $0x2  }
0x2b: {  	s3 =	sadd.s32 $0x1, s3  }
0x2c: {  	p0 =	sne.s32 s3, s7  }
.Ltmp2:
0x2d: {  	[tilespmem:v0+s13+$0x0] =	vst.idx.msk $0xffff, v63;
	(pc) =	sbr.rel @p0 .LBB2_2-.Ltmp2, $4  }
0x2e: {  	[hbm4b:s6+s10] =	stream.strided.scatter [tilespmem:s13], [sflag:$0x1], $0x1400, s11, s10, $0x38;
	[tilespmem:$0x5000] =	vst v63  }
0x2f: {  	_ =	swait.ge [sflag:s8], $0x1400  }
0x30: {  	[sflag:s8] =	ssyncset.done $0x0  }
0x31: {  	[sflag:s8] =	ssyncadd.s32 $0xFFFFEC00  }
.LBB2_5:
0x32: {  	_ =	sfence.sel $0x180000  }
0x33: {  	[bflag:$0x0] =	sbarrier.arrive $0xFFFF  }
0x34: {  	p0 =	sne.s32 s0, $0x0;
	_ =	strace $0x90000047  }
0x35: {  	s0 =	sadd.s32 @!p0 $0x100000, s1;
	[bflag:$0x2] =	sbarrier.arrive $0xFFFF  }
0x36: {  	[sflag:s0] =	ssyncadd.tile.s32 @!p0 $0x1;
	_ =	shalt  }
.Lfunc_end2:
_tile_overlayer_lowered:
.L_overlay_start_2:
0x37: {  	(tag) =	ssettag $0x2  }
0x38: {  	s0 =	rddreg [dreg:$0x0];
	s2 =	stileid.u32  }
0x39: {  	s1 =	rddreg [dreg:$0x1];
	p0 =	sne.s32 s2, $0x0  }
0x3a: {  	s3 =	rddreg [dreg:$0x2];
	[bflag:$0x3] =	sbarrier.arrive $0xFFFF;
	s2 =	simm.s32 @!p0 $0x1C01  }
0x3b: {  	[timem:s3], [sflag:s2] =	dma.local @!p0 [hbm:s0], s1  }
0x3c: {  	s0 =	simm.s32 @!p0 $0x1  }
0x3d: {  	_ =	swait.ge @!p0 [sflag:s0], s1  }
0x3e: {  	s1 =	ssub.s32 @!p0 $0x0, s1;
	[sflag:s0] =	ssyncset.done @!p0 $0x0  }
0x3f: {  	[sflag:s0] =	ssyncadd.s32 @!p0 s1  }
0x40: {  	[bflag:$0x3] =	sbarrier.arrive $0xFFFF  }
0x41: {  	_ =	shalt  }

</sc_bundles>
